<compile_context>
chip_gen: v7x
topology: tpu7x:2x2x1
jax: 0.10.2.dev20260603
libtpu: 0.0.44.dev20260713+nightly
codegen_flags: <defaults>
</compile_context>

<pallas_src>
import functools

import jax
import jax.numpy as jnp
from jax import lax
from jax.experimental import pallas as pl
from jax.experimental.pallas import tpu as pltpu
from jax.experimental.pallas import tpu_sc as plsc

N_LEVEL = 26
N_EMB = 100000
D_EMB = 32
BATCH = 16384

NUM_CORES = 2
NUM_SUBCORES = 16
NW = NUM_CORES * NUM_SUBCORES
ROWS = N_LEVEL * D_EMB
RPW = ROWS // NW
LANES = 16
HALF = BATCH // 2


def _emb_kernel(idx_hbm, tab_hbm, out_hbm, idx_v, row_v, out_v):
    wid = lax.axis_index("s") * NUM_CORES + lax.axis_index("c")

    def row_body(j, l_prev):
        r = wid * RPW + j
        l = lax.shift_right_logical(r, 5)
        d = lax.bitwise_and(r, 31)

        @pl.when(l != l_prev)
        def _():
            pltpu.sync_copy(idx_hbm.at[l], idx_v)

        pltpu.sync_copy(tab_hbm.at[l, d], row_v)

        for h in range(2):
            @plsc.parallel_loop(0, HALF // LANES, unroll=16)
            def _(g, h=h):
                iv = idx_v[pl.ds(h * HALF + g * LANES, LANES)]
                out_v[pl.ds(g * LANES, LANES)] = (
                    plsc.load_gather(row_v, [iv]))
            pltpu.sync_copy(out_v, out_hbm.at[l, d, pl.ds(h * HALF, HALF)])
        return l

    lax.fori_loop(0, RPW, row_body, jnp.int32(-1))


def kernel(idx, weight):
    tab_t = jnp.transpose(weight, (0, 2, 1))

    mesh = plsc.VectorSubcoreMesh(core_axis_name="c", subcore_axis_name="s")
    run = functools.partial(
        pl.kernel,
        mesh=mesh,
        compiler_params=pltpu.CompilerParams(needs_layout_passes=False),
        out_type=jax.ShapeDtypeStruct((N_LEVEL, D_EMB, BATCH), jnp.float32),
        scratch_types=[
            pltpu.VMEM((BATCH,), jnp.int32),
            pltpu.VMEM((N_EMB,), jnp.float32),
            pltpu.VMEM((HALF,), jnp.float32),
        ],
    )(_emb_kernel)
    out_t = run(idx.astype(jnp.int32), tab_t)
    return jnp.transpose(out_t, (0, 2, 1))

# --- scband reference (transcript-rebuilt; emitter-appended) ---
"""Pipeline reference for scband-multi-embedding-9363028706253 (READ-ONLY COPY).

The authoritative reference and input builder live on the scoring server;
editing this copy changes nothing except your own understanding.
"""

import jax, jax.numpy as jnp
import numpy as np

N_LEVEL = 26
N_EMB = 100000
D_EMB = 32
BATCH = 16384

def setup_inputs(seed: int = 0) -> dict:
    key = jax.random.key(seed)
    k_idx, k_w = jax.random.split(key)
    idx = jax.random.randint(k_idx, (N_LEVEL, BATCH), 0, N_EMB, dtype=jnp.int64 if jax.config.jax_enable_x64 else jnp.int32)
    weight = jax.random.normal(k_w, (N_LEVEL, N_EMB, D_EMB), dtype=jnp.float32)
    return {"idx": idx, "weight": weight}

def reference(idx, weight):
    # torch.vmap(F.embedding)(idx, weight): per-level gather from stacked tables.
    # padding_idx=None -> plain lookup.
    def emb(i, w):
        return jnp.take(w, i, axis=0)
    return jax.vmap(emb)(idx, weight)

if __name__ == "__main__":
    import jax
    _d = setup_inputs()
    print(jax.jit(kernel)(*tuple(_d.values())))

</pallas_src>

<mosaic_0001>
#map = affine_map<(d0, d1) -> (0, 0)>
#map1 = affine_map<(d0, d1) -> (0, 0, 0)>
module attributes {stable_mosaic.version = 14 : i64} {
  func.func @_emb_kernel(%arg0: i32, %arg1: i32, %arg2: memref<26x16384xi32, #tpu.memory_space<hbm>>, %arg3: memref<26x32x100000xf32, #tpu.memory_space<hbm>>, %arg4: memref<26x32x16384xf32, #tpu.memory_space<hbm>>, %arg5: memref<16384xi32, #tpu.memory_space<vmem>>, %arg6: memref<100000xf32, #tpu.memory_space<vmem>>, %arg7: memref<8192xf32, #tpu.memory_space<vmem>>) attributes {dimension_semantics = [#tpu.dimension_semantics<core_parallel>, #tpu.dimension_semantics<subcore_parallel>], iteration_bounds = array<i64: 2, 16>, scalar_prefetch = 0 : i64, scratch_operands = 3 : i64, tpu.core_type = #tpu.core_type<sc_vector_subcore>, window_params = [{transform_indices = #map}, {transform_indices = #map1}, {transform_indices = #map1}]} {
    %mul3A = arith.constant 2 : i32
    %mul3A_0 = arith.muli %arg1, %mul3A : i32
    %add3A = arith.addi %mul3A_0, %arg0 : i32
    %scan3A = arith.constant -1 : i32
    %scan3A_1 = arith.constant 0 : i32
    %scan3A_2 = arith.constant 26 : i32
    %scan3A_3 = arith.addi %scan3A_1, %scan3A_2 : i32
    %scan3A_4 = arith.constant 1 : i32
    %scan3A_5 = scf.for %scan3A_7 = %scan3A_1 to %scan3A_3 step %scan3A_4 iter_args(%scan3A_8 = %scan3A) -> (i32)  : i32 {
      %mul3A_9 = arith.constant 26 : i32
      %mul3A_10 = arith.muli %add3A, %mul3A_9 : i32
      %add3A_11 = arith.addi %mul3A_10, %scan3A_7 : i32
      %shift_right_logical3A = arith.constant 5 : i32
      %shift_right_logical3A_12 = arith.shrui %add3A_11, %shift_right_logical3A : i32
      %and3A = arith.constant 31 : i32
      %and3A_13 = arith.andi %add3A_11, %and3A : i32
      %ne3A = arith.cmpi ne, %shift_right_logical3A_12, %scan3A_8 : i32
      %convert_element_type3A = arith.extui %ne3A : i1 to i32
      %cond3A = arith.constant 0 : i32
      %cond3A_14 = arith.cmpi ne, %convert_element_type3A, %cond3A : i32
      scf.if %cond3A_14 {
        "tpu.region"() ({
          %run_scoped3A = tpu.sem_alloc : memref<!tpu.dma_semaphore, #tpu.memory_space<semaphore_mem>>
          %dma_start3A = arith.constant 0 : i32
          %dma_start3A_20 = tpu.memref_slice %arg2[%shift_right_logical3A_12, %dma_start3A] : memref<26x16384xi32, #tpu.memory_space<hbm>> -> memref<1x16384xi32, #tpu.memory_space<hbm>>
          %dma_start3A_21 = tpu.memref_squeeze %dma_start3A_20 : memref<1x16384xi32, #tpu.memory_space<hbm>> -> memref<16384xi32, #tpu.memory_space<hbm>>
          %dma_start3A_22 = arith.constant 0 : i32
          %dma_start3A_23 = tpu.memref_slice %arg2[%shift_right_logical3A_12, %dma_start3A_22] : memref<26x16384xi32, #tpu.memory_space<hbm>> -> memref<1x16384xi32, #tpu.memory_space<hbm>>
          %dma_start3A_24 = tpu.memref_squeeze %dma_start3A_23 : memref<1x16384xi32, #tpu.memory_space<hbm>> -> memref<16384xi32, #tpu.memory_space<hbm>>
          tpu.enqueue_dma source(%dma_start3A_24 : memref<16384xi32, #tpu.memory_space<hbm>>) target(%arg5 : memref<16384xi32, #tpu.memory_space<vmem>>) target_semaphore(%run_scoped3A : memref<!tpu.dma_semaphore, #tpu.memory_space<semaphore_mem>>)
          %dma_wait3A = arith.constant 0 : i32
          %dma_wait3A_25 = tpu.memref_slice %arg2[%shift_right_logical3A_12, %dma_wait3A] : memref<26x16384xi32, #tpu.memory_space<hbm>> -> memref<1x16384xi32, #tpu.memory_space<hbm>>
          %dma_wait3A_26 = tpu.memref_squeeze %dma_wait3A_25 : memref<1x16384xi32, #tpu.memory_space<hbm>> -> memref<16384xi32, #tpu.memory_space<hbm>>
          %dma_wait3A_27 = arith.constant 0 : i32
          %dma_wait3A_28 = tpu.memref_slice %arg2[%shift_right_logical3A_12, %dma_wait3A_27] : memref<26x16384xi32, #tpu.memory_space<hbm>> -> memref<1x16384xi32, #tpu.memory_space<hbm>>
          %dma_wait3A_29 = tpu.memref_squeeze %dma_wait3A_28 : memref<1x16384xi32, #tpu.memory_space<hbm>> -> memref<16384xi32, #tpu.memory_space<hbm>>
          tpu.wait_dma2 semaphore(%run_scoped3A : memref<!tpu.dma_semaphore, #tpu.memory_space<semaphore_mem>>) src(%dma_wait3A_29 : memref<16384xi32, #tpu.memory_space<hbm>>) dst(%arg5 : memref<16384xi32, #tpu.memory_space<vmem>>)
          tpu.yield
        }) : () -> ()
      } else {
      }
      "tpu.region"() ({
        %run_scoped3A = tpu.sem_alloc : memref<!tpu.dma_semaphore, #tpu.memory_space<semaphore_mem>>
        %dma_start3A = arith.constant 0 : i32
        %dma_start3A_20 = tpu.memref_slice %arg3[%shift_right_logical3A_12, %and3A_13, %dma_start3A] : memref<26x32x100000xf32, #tpu.memory_space<hbm>> -> memref<1x1x100000xf32, #tpu.memory_space<hbm>>
        %dma_start3A_21 = tpu.memref_squeeze %dma_start3A_20 : memref<1x1x100000xf32, #tpu.memory_space<hbm>> -> memref<100000xf32, #tpu.memory_space<hbm>>
        %dma_start3A_22 = arith.constant 0 : i32
        %dma_start3A_23 = tpu.memref_slice %arg3[%shift_right_logical3A_12, %and3A_13, %dma_start3A_22] : memref<26x32x100000xf32, #tpu.memory_space<hbm>> -> memref<1x1x100000xf32, #tpu.memory_space<hbm>>
        %dma_start3A_24 = tpu.memref_squeeze %dma_start3A_23 : memref<1x1x100000xf32, #tpu.memory_space<hbm>> -> memref<100000xf32, #tpu.memory_space<hbm>>
        tpu.enqueue_dma source(%dma_start3A_24 : memref<100000xf32, #tpu.memory_space<hbm>>) target(%arg6 : memref<100000xf32, #tpu.memory_space<vmem>>) target_semaphore(%run_scoped3A : memref<!tpu.dma_semaphore, #tpu.memory_space<semaphore_mem>>)
        %dma_wait3A = arith.constant 0 : i32
        %dma_wait3A_25 = tpu.memref_slice %arg3[%shift_right_logical3A_12, %and3A_13, %dma_wait3A] : memref<26x32x100000xf32, #tpu.memory_space<hbm>> -> memref<1x1x100000xf32, #tpu.memory_space<hbm>>
        %dma_wait3A_26 = tpu.memref_squeeze %dma_wait3A_25 : memref<1x1x100000xf32, #tpu.memory_space<hbm>> -> memref<100000xf32, #tpu.memory_space<hbm>>
        %dma_wait3A_27 = arith.constant 0 : i32
        %dma_wait3A_28 = tpu.memref_slice %arg3[%shift_right_logical3A_12, %and3A_13, %dma_wait3A_27] : memref<26x32x100000xf32, #tpu.memory_space<hbm>> -> memref<1x1x100000xf32, #tpu.memory_space<hbm>>
        %dma_wait3A_29 = tpu.memref_squeeze %dma_wait3A_28 : memref<1x1x100000xf32, #tpu.memory_space<hbm>> -> memref<100000xf32, #tpu.memory_space<hbm>>
        tpu.wait_dma2 semaphore(%run_scoped3A : memref<!tpu.dma_semaphore, #tpu.memory_space<semaphore_mem>>) src(%dma_wait3A_29 : memref<100000xf32, #tpu.memory_space<hbm>>) dst(%arg6 : memref<100000xf32, #tpu.memory_space<vmem>>)
        tpu.yield
      }) : () -> ()
      %parallel_loop3A = arith.constant 0 : i32
      %parallel_loop3A_15 = arith.constant 512 : i32
      %parallel_loop3A_16 = arith.constant 1 : i32
      scf.for %parallel_loop3A_20 = %parallel_loop3A to %parallel_loop3A_15 step %parallel_loop3A_16  : i32 {
        %parallel_loop3A_21 = arith.constant 16 : i32
        %parallel_loop3A_22 = arith.muli %parallel_loop3A_20, %parallel_loop3A_21 : i32
        %parallel_loop3A_23 = arith.constant 0 : i32
        %parallel_loop3A_24 = arith.addi %parallel_loop3A_23, %parallel_loop3A_22 : i32
        %parallel_loop3A_25 = arith.index_cast %parallel_loop3A_24 : i32 to index
        %parallel_loop3A_26 = tpu.vector_load %arg5[%parallel_loop3A_25] {strides = array<i32>} : memref<16384xi32, #tpu.memory_space<vmem>>, vector<16xi32>,
        %parallel_loop3A_27 = tpu.vector_load_idx %arg6[%parallel_loop3A_26] : memref<100000xf32, #tpu.memory_space<vmem>>[vector<16xi32>], vector<16xf32>,
        %parallel_loop3A_28 = arith.constant 16 : i32
        %parallel_loop3A_29 = arith.muli %parallel_loop3A_20, %parallel_loop3A_28 : i32
        %parallel_loop3A_30 = arith.index_cast %parallel_loop3A_29 : i32 to index
        %parallel_loop3A_31 = tpu.vector_load %arg7[%parallel_loop3A_30] {strides = array<i32>} : memref<8192xf32, #tpu.memory_space<vmem>>, vector<16xf32>,
        tpu.vector_store %arg7[%parallel_loop3A_30], %parallel_loop3A_27 {strides = array<i32>} : memref<8192xf32, #tpu.memory_space<vmem>>, vector<16xf32>,
      } {sc.loop_unroll_factor = 16 : i64, sc.parallel_access}
      "tpu.region"() ({
        %run_scoped3A = tpu.sem_alloc : memref<!tpu.dma_semaphore, #tpu.memory_space<semaphore_mem>>
        %dma_start3A = arith.constant 0 : i32
        %dma_start3A_20 = tpu.memref_slice %arg4[%shift_right_logical3A_12, %and3A_13, %dma_start3A] : memref<26x32x16384xf32, #tpu.memory_space<hbm>> -> memref<1x1x8192xf32, #tpu.memory_space<hbm>>
        %dma_start3A_21 = tpu.memref_squeeze %dma_start3A_20 : memref<1x1x8192xf32, #tpu.memory_space<hbm>> -> memref<8192xf32, #tpu.memory_space<hbm>>
        %dma_start3A_22 = arith.constant 0 : i32
        %dma_start3A_23 = tpu.memref_slice %arg4[%shift_right_logical3A_12, %and3A_13, %dma_start3A_22] : memref<26x32x16384xf32, #tpu.memory_space<hbm>> -> memref<1x1x8192xf32, #tpu.memory_space<hbm>>
        %dma_start3A_24 = tpu.memref_squeeze %dma_start3A_23 : memref<1x1x8192xf32, #tpu.memory_space<hbm>> -> memref<8192xf32, #tpu.memory_space<hbm>>
        tpu.enqueue_dma source(%arg7 : memref<8192xf32, #tpu.memory_space<vmem>>) target(%dma_start3A_24 : memref<8192xf32, #tpu.memory_space<hbm>>) target_semaphore(%run_scoped3A : memref<!tpu.dma_semaphore, #tpu.memory_space<semaphore_mem>>)
        %dma_wait3A = arith.constant 0 : i32
        %dma_wait3A_25 = tpu.memref_slice %arg4[%shift_right_logical3A_12, %and3A_13, %dma_wait3A] : memref<26x32x16384xf32, #tpu.memory_space<hbm>> -> memref<1x1x8192xf32, #tpu.memory_space<hbm>>
        %dma_wait3A_26 = tpu.memref_squeeze %dma_wait3A_25 : memref<1x1x8192xf32, #tpu.memory_space<hbm>> -> memref<8192xf32, #tpu.memory_space<hbm>>
        %dma_wait3A_27 = arith.constant 0 : i32
        %dma_wait3A_28 = tpu.memref_slice %arg4[%shift_right_logical3A_12, %and3A_13, %dma_wait3A_27] : memref<26x32x16384xf32, #tpu.memory_space<hbm>> -> memref<1x1x8192xf32, #tpu.memory_space<hbm>>
        %dma_wait3A_29 = tpu.memref_squeeze %dma_wait3A_28 : memref<1x1x8192xf32, #tpu.memory_space<hbm>> -> memref<8192xf32, #tpu.memory_space<hbm>>
        tpu.wait_dma2 semaphore(%run_scoped3A : memref<!tpu.dma_semaphore, #tpu.memory_space<semaphore_mem>>) src(%arg7 : memref<8192xf32, #tpu.memory_space<vmem>>) dst(%dma_wait3A_29 : memref<8192xf32, #tpu.memory_space<hbm>>)
        tpu.yield
      }) : () -> ()
      %parallel_loop3A_17 = arith.constant 0 : i32
      %parallel_loop3A_18 = arith.constant 512 : i32
      %parallel_loop3A_19 = arith.constant 1 : i32
      scf.for %parallel_loop3A_20 = %parallel_loop3A_17 to %parallel_loop3A_18 step %parallel_loop3A_19  : i32 {
        %parallel_loop3A_21 = arith.constant 16 : i32
        %parallel_loop3A_22 = arith.muli %parallel_loop3A_20, %parallel_loop3A_21 : i32
        %parallel_loop3A_23 = arith.constant 8192 : i32
        %parallel_loop3A_24 = arith.addi %parallel_loop3A_23, %parallel_loop3A_22 : i32
        %parallel_loop3A_25 = arith.index_cast %parallel_loop3A_24 : i32 to index
        %parallel_loop3A_26 = tpu.vector_load %arg5[%parallel_loop3A_25] {strides = array<i32>} : memref<16384xi32, #tpu.memory_space<vmem>>, vector<16xi32>,
        %parallel_loop3A_27 = tpu.vector_load_idx %arg6[%parallel_loop3A_26] : memref<100000xf32, #tpu.memory_space<vmem>>[vector<16xi32>], vector<16xf32>,
        %parallel_loop3A_28 = arith.constant 16 : i32
        %parallel_loop3A_29 = arith.muli %parallel_loop3A_20, %parallel_loop3A_28 : i32
        %parallel_loop3A_30 = arith.index_cast %parallel_loop3A_29 : i32 to index
        %parallel_loop3A_31 = tpu.vector_load %arg7[%parallel_loop3A_30] {strides = array<i32>} : memref<8192xf32, #tpu.memory_space<vmem>>, vector<16xf32>,
        tpu.vector_store %arg7[%parallel_loop3A_30], %parallel_loop3A_27 {strides = array<i32>} : memref<8192xf32, #tpu.memory_space<vmem>>, vector<16xf32>,
      } {sc.loop_unroll_factor = 16 : i64, sc.parallel_access}
      "tpu.region"() ({
        %run_scoped3A = tpu.sem_alloc : memref<!tpu.dma_semaphore, #tpu.memory_space<semaphore_mem>>
        %dma_start3A = arith.constant 8192 : i32
        %dma_start3A_20 = tpu.memref_slice %arg4[%shift_right_logical3A_12, %and3A_13, %dma_start3A] : memref<26x32x16384xf32, #tpu.memory_space<hbm>> -> memref<1x1x8192xf32, #tpu.memory_space<hbm>>
        %dma_start3A_21 = tpu.memref_squeeze %dma_start3A_20 : memref<1x1x8192xf32, #tpu.memory_space<hbm>> -> memref<8192xf32, #tpu.memory_space<hbm>>
        %dma_start3A_22 = arith.constant 8192 : i32
        %dma_start3A_23 = tpu.memref_slice %arg4[%shift_right_logical3A_12, %and3A_13, %dma_start3A_22] : memref<26x32x16384xf32, #tpu.memory_space<hbm>> -> memref<1x1x8192xf32, #tpu.memory_space<hbm>>
        %dma_start3A_24 = tpu.memref_squeeze %dma_start3A_23 : memref<1x1x8192xf32, #tpu.memory_space<hbm>> -> memref<8192xf32, #tpu.memory_space<hbm>>
        tpu.enqueue_dma source(%arg7 : memref<8192xf32, #tpu.memory_space<vmem>>) target(%dma_start3A_24 : memref<8192xf32, #tpu.memory_space<hbm>>) target_semaphore(%run_scoped3A : memref<!tpu.dma_semaphore, #tpu.memory_space<semaphore_mem>>)
        %dma_wait3A = arith.constant 8192 : i32
        %dma_wait3A_25 = tpu.memref_slice %arg4[%shift_right_logical3A_12, %and3A_13, %dma_wait3A] : memref<26x32x16384xf32, #tpu.memory_space<hbm>> -> memref<1x1x8192xf32, #tpu.memory_space<hbm>>
        %dma_wait3A_26 = tpu.memref_squeeze %dma_wait3A_25 : memref<1x1x8192xf32, #tpu.memory_space<hbm>> -> memref<8192xf32, #tpu.memory_space<hbm>>
        %dma_wait3A_27 = arith.constant 8192 : i32
        %dma_wait3A_28 = tpu.memref_slice %arg4[%shift_right_logical3A_12, %and3A_13, %dma_wait3A_27] : memref<26x32x16384xf32, #tpu.memory_space<hbm>> -> memref<1x1x8192xf32, #tpu.memory_space<hbm>>
        %dma_wait3A_29 = tpu.memref_squeeze %dma_wait3A_28 : memref<1x1x8192xf32, #tpu.memory_space<hbm>> -> memref<8192xf32, #tpu.memory_space<hbm>>
        tpu.wait_dma2 semaphore(%run_scoped3A : memref<!tpu.dma_semaphore, #tpu.memory_space<semaphore_mem>>) src(%arg7 : memref<8192xf32, #tpu.memory_space<vmem>>) dst(%dma_wait3A_29 : memref<8192xf32, #tpu.memory_space<hbm>>)
        tpu.yield
      }) : () -> ()
      scf.yield %shift_right_logical3A_12 : i32
    }
    %scan3A_6 = arith.constant 26 : i32
    return
  }
}

</mosaic_0001>

<sc_bundles>
// kernel: kernel.3.cloned.1.call-start
scs
__scs_entry_jumppad:
0x0: {  	(pc) =	sbr.rel $0x88, $3  }
0x1: {  	(tag) =	ssettag $0x0;
	lr =	simm.s32 $0x1  }
0x2: {  	[smem:$0x3F9F] =	sst lr;
	_ =	strace $0xD0000000  }
0x3: {  	_ = 	snop  }
0x4: {  	_ = 	snop  }
0x5: {  	_ = 	snop  }
0x6: {  	_ = 	snop  }
0x7: {  	_ = 	snop  }
__scs_overlays_trampoline_lowered:
0x8: {  	[smem:$0x3FAE] =	sst s0  }
0x9: {  	[smem:$0x3FAF] =	sst s1  }
0xa: {  	[smem:$0x3FB0] =	sst s2  }
0xb: {  	[smem:$0x3FB1] =	sst s3  }
0xc: {  	[smem:$0x3FB2] =	sst s4  }
0xd: {  	[smem:$0x3FB3] =	sst s5  }
0xe: {  	[smem:$0x3FB4] =	sst s6  }
0xf: {  	[smem:$0x3FB5] =	sst s7  }
0x10: {  	[smem:$0x3FB6] =	sst s8  }
0x11: {  	[smem:$0x3FB7] =	sst s9;
	s0 =	simm.s32 @!p0 $0x0  }
0x12: {  	s1 =	sld [smem:$0x3F9D];
	s0 =	simm.s32 @p0 $0x1  }
0x13: {  	[smem:$0x3FB8] =	sst s0;
	s0 =	simm.s32 @!p1 $0x0  }
0x14: {  	s2 =	sld [smem:$0x3F9C];
	s0 =	simm.s32 @p1 $0x1  }
0x15: {  	[smem:$0x3FB9] =	sst s0;
	s0 =	simm.s32 @!p2 $0x0  }
0x16: {  	s3 =	sld [smem:$0x3FDB];
	s0 =	simm.s32 @p2 $0x1  }
0x17: {  	s4 =	simm.s32 $0x1BF5;
	[smem:$0x3FBB] =	sst s0  }
0x18: {  	s0 =	sld [smem:$0x3F9E];
	_ =	swait.ge [sflag:s4], $0x0  }
0x19: {  	s7 =	sld [smem:$0x3F9F]  }
0x1a: {  	s8 =	sadd.s32 $0xFFFFE003, lr  }
0x1b: {  	s9 =	sadd.s32 $0xFFFFFEF7, lr;
	s5 =	simm.s32 $0xFFFFFFFF;
	p2 =	slt.u32 s8, $0xFFFFF086  }
0x1c: {  	p1 =	slt.u32 s9, $0xF7A;
	s5 =	simm.s32 @!p2 $0x0  }
0x1d: {  	s5 =	simm.s32 @p1 $0x1;
	p0 =	seq.s32 s7, s2  }
0x1e: {  	s7 =	smul.u32 @!p0 $0xF7A, s2;
	p2 =	seq.s32 @!p0 s5, $0x0  }
0x1f: {  	s9 =	smul.u32 $0xF7A, s1;
	s8 =	simm.s32 @!p0 $0x1BF5;
	p2 =	por !p2, p0  }
0x20: {  	[sflag:s8] =	ssyncset.s32 @!p0 $0xFFFFF086;
	s6 =	sadd.s32 @!p0 s3, s7;
	s7 =	simm.s32 @!p0 $0x108  }
0x21: {  	s3 =	sadd.s32 s3, s9;
	s6 =	sadd.s32 @!p0 $0x88, s6;
	s7 =	simm.s32 @p2 $0x1082  }
0x22: {  	[simem:s7], [sflag:s8] =	dma.local @!p0 [hbm:s6], $0xF7A  }
0x23: {  	s9 =	sor.u32 $0xD0000000, s2;
	s6 =	simm.s32 $0x108;
	_ =	swait.ge @!p0 [sflag:s8], $0x0  }
0x24: {  	s3 =	sadd.s32 $0x88, s3;
	s6 =	simm.s32 @!p1 $0x1082;
	[sflag:s4] =	ssyncset.s32 $0xFFFFF086  }
0x25: {  	[simem:s6], [sflag:s4] =	dma.local [hbm:s3], $0xF7A  }
0x26: {  	[smem:$0x3F9F] =	sst s1;
	(tag) =	ssettag s2;
	_ =	strace s9  }
0x27: {  	s1 =	sld [smem:$0x3FAF]  }
0x28: {  	s2 =	sld [smem:$0x3FB0]  }
0x29: {  	s4 =	sld [smem:$0x3FB2]  }
0x2a: {  	p0 =	seq.s32 s5, $0x0;
	s5 =	sld [smem:$0x3FB3]  }
0x2b: {  	s6 =	sld [smem:$0x3FB4]  }
0x2c: {  	s7 =	sld [smem:$0x3FB5]  }
0x2d: {  	s3 =	simm.s32 $0x108;
	s8 =	sld [smem:$0x3FB6]  }
0x2e: {  	s3 =	simm.s32 @!p0 $0x1082;
	s9 =	sld [smem:$0x3FB7]  }
0x2f: {  	lr =	sadd.s32 s0, s3;
	s0 =	sld [smem:$0x3FAE]  }
0x30: {  	s3 =	sld [smem:$0x3FB1]  }
0x31: {  	[smem:$0x3FBA] =	sst s10  }
0x32: {  	s10 =	sld [smem:$0x3FB8];
	_ =	sdelay $0x3  }
0x33: {  	p0 =	seq.s32 s10, $0x1;
	s10 =	sld [smem:$0x3FBA];
	_ =	sdelay $0x3  }
0x34: {  	[smem:$0x3FBA] =	sst s10  }
0x35: {  	s10 =	sld [smem:$0x3FB9];
	_ =	sdelay $0x3  }
0x36: {  	p1 =	seq.s32 s10, $0x1;
	s10 =	sld [smem:$0x3FBA];
	_ =	sdelay $0x3  }
0x37: {  	[smem:$0x3FBA] =	sst s10  }
0x38: {  	s10 =	sld [smem:$0x3FBB]  }
0x39: {  	_ = 	snop;
	(pc) =	sbr.ind lr, $3  }
0x3a: {  	_ = 	snop  }
0x3b: {  	_ = 	snop  }
0x3c: {  	p2 =	seq.s32 s10, $0x1;
	s10 =	sld [smem:$0x3FBA]  }
0x3d: {  	_ =	shalt  }
0x3e: {  	_ =	shalt  }
0x3f: {  	_ =	shalt  }
0x40: {  	_ =	shalt  }
0x41: {  	_ =	shalt  }
0x42: {  	_ =	shalt  }
0x43: {  	_ =	shalt  }
0x44: {  	_ =	shalt  }
0x45: {  	_ =	shalt  }
0x46: {  	_ =	shalt  }
0x47: {  	_ =	shalt  }
0x48: {  	_ =	shalt  }
0x49: {  	_ =	shalt  }
0x4a: {  	_ =	shalt  }
0x4b: {  	_ =	shalt  }
0x4c: {  	_ =	shalt  }
0x4d: {  	_ =	shalt  }
0x4e: {  	_ =	shalt  }
0x4f: {  	_ =	shalt  }
0x50: {  	_ =	shalt  }
0x51: {  	_ =	shalt  }
0x52: {  	_ =	shalt  }
0x53: {  	_ =	shalt  }
0x54: {  	_ =	shalt  }
0x55: {  	_ =	shalt  }
0x56: {  	_ =	shalt  }
0x57: {  	_ =	shalt  }
0x58: {  	_ =	shalt  }
0x59: {  	_ =	shalt  }
0x5a: {  	_ =	shalt  }
0x5b: {  	_ =	shalt  }
0x5c: {  	_ =	shalt  }
0x5d: {  	_ =	shalt  }
0x5e: {  	_ =	shalt  }
0x5f: {  	_ =	shalt  }
0x60: {  	_ =	shalt  }
0x61: {  	_ =	shalt  }
0x62: {  	_ =	shalt  }
0x63: {  	_ =	shalt  }
0x64: {  	_ =	shalt  }
0x65: {  	_ =	shalt  }
0x66: {  	_ =	shalt  }
0x67: {  	_ =	shalt  }
0x68: {  	_ =	shalt  }
0x69: {  	_ =	shalt  }
0x6a: {  	_ =	shalt  }
0x6b: {  	_ =	shalt  }
0x6c: {  	_ =	shalt  }
0x6d: {  	_ =	shalt  }
0x6e: {  	_ =	shalt  }
0x6f: {  	_ =	shalt  }
0x70: {  	_ =	shalt  }
0x71: {  	_ =	shalt  }
0x72: {  	_ =	shalt  }
0x73: {  	_ =	shalt  }
0x74: {  	_ =	shalt  }
0x75: {  	_ =	shalt  }
0x76: {  	_ =	shalt  }
0x77: {  	_ =	shalt  }
0x78: {  	_ =	shalt  }
0x79: {  	_ =	shalt  }
0x7a: {  	_ =	shalt  }
0x7b: {  	_ =	shalt  }
0x7c: {  	_ =	shalt  }
0x7d: {  	_ =	shalt  }
0x7e: {  	_ =	shalt  }
0x7f: {  	_ =	shalt  }
0x80: {  	_ =	shalt  }
0x81: {  	_ =	shalt  }
0x82: {  	_ =	shalt  }
0x83: {  	_ =	shalt  }
0x84: {  	_ =	shalt  }
0x85: {  	_ =	shalt  }
0x86: {  	_ =	shalt  }
0x87: {  	_ =	shalt  }
.Lfunc_end0:
.L_simem_size_0:
called_computation_lowered:
.L_overlay_start_0:
0x88: {  	s2 =	sld [smem:$0x3FD9]  }
0x89: {  	s3 =	sld [smem:$0x3FFE];
	_ =	sdelay $0x1  }
0x8a: {  	s1 =	srdreg.scid  }
0x8b: {  	s0 =	sand.u32 $0x1, s1  }
0x8c: {  	s18 =	sshll.u32 s0, $0xA;
	s2 =	sadd.s32 s3, s2  }
0x8d: {  	s2 =	sadd.s32 s2, s18  }
0x8e: {  	[smem:$0x3FC6] =	sst s2  }
0x8f: {  	_ = 	snop  }
0x90: {  	s2 =	sld [smem:$0x3FC9]  }
0x91: {  	s19 =	sld [smem:$0x3FC8]  }
0x92: {  	s4 =	sld [smem:$0x3FD0];
	(tm) =	ssettm $0x1  }
0x93: {  	s5 =	sld [smem:$0x3FFB];
	_ =	sdelay $0x3  }
0x94: {  	_ =	strace s5  }
0x95: {  	s5 =	sld [smem:$0x3FFC];
	_ =	sdelay $0x3  }
0x96: {  	_ =	strace s5  }
0x97: {  	s5 =	sld [smem:$0x3FFD];
	_ =	sdelay $0x3  }
0x98: {  	_ =	strace s5  }
0x99: {  	_ =	strace $0x8FFFFFFF  }
0x9a: {  	s20 =	sld [smem:$0x3FDB];
	_ =	sdelay $0x1  }
0x9b: {  	s6 =	simm.s32 $_scs_section_size  }
0x9c: {  	s7 =	simm.s32 $_size__tile_overlayer_lowered;
	s8 =	simm.s32 $_tile_overlayer_lowered  }
0x9d: {  	s23 =	simm.s32 $0x1BFF;
	s22 =	sshll.u32 s8, $0x1;
	s5 =	sadd.s32 s6, s20  }
0x9e: {  	s9 =	simm.s32 $0x0;
	s21 =	sshll.u32 s7, $0x1;
	s7 =	sadd.s32 s22, s5  }
0x9f: {  	[timem:s9], [sflag:s23] =	dma.local [hbm:s7], s21  }
0xa0: {  	_ =	swait.ge [sflag:s23], s21  }
0xa1: {  	s6 =	ssub.s32 $0x0, s21;
	[sflag:s23] =	ssyncset.done $0x0  }
0xa2: {  	[sflag:s23] =	ssyncadd.s32 s6;
	_ =	sdelay $0x1  }
0xa3: {  	s24 =	simm.s32 $0x1B8B  }
0xa4: {  	_ =	swait.ge [sflag:s24], $0x1  }
0xa5: {  	[sflag:s24] =	ssyncset.done $0x0  }
0xa6: {  	s25 =	simm.s32 $0x1B8E;
	[sflag:s24] =	ssyncadd.s32 $0xFFFFFFFF  }
0xa7: {  	s26 =	simm.s32 $execute0_lowered;
	[smem:$0x3FD2] =	sst s25  }
0xa8: {  	s6 =	sshll.u32 s26, $0x1;
	_ =	strace $0x80000046;
	[dreg:$0x1] =	wrdreg $0xFFFFFFFF  }
0xa9: {  	s28 =	simm.s32 $_size_execute0_lowered;
	s5 =	sadd.s32 s5, s6;
	[dreg:$0x0] =	wrdreg $0x0  }
0xaa: {  	s6 =	sshll.u32 s28, $0x1;
	[dreg:$0x2] =	wrdreg s5  }
0xab: {  	[dreg:$0x3] =	wrdreg s6  }
0xac: {  	[dreg:$0x4] =	wrdreg $0xC0  }
0xad: {  	_ =	task [dreg:s9], $0x5FFFF  }
0xae: {  	[dreg:$0x1] =	wrdreg $0xFFFFFFFF  }
0xaf: {  	[dreg:$0x0] =	wrdreg $0x60  }
0xb0: {  	[dreg:$0x2] =	wrdreg s2  }
0xb1: {  	[dreg:$0x3] =	wrdreg s19  }
0xb2: {  	[dreg:$0x4] =	wrdreg s4  }
0xb3: {  	[dreg:$0x5] =	wrdreg $0x9  }
0xb4: {  	_ =	task.clear_ibuf [dreg:s9], $0x6FFFF;
	_ =	strace $0x90000046  }
0xb5: {  	s29 =	simm.s32 $0x9;
	_ =	strace $0x80000048  }
0xb6: {  	_ =	swait.ge [sflag:s29], $0x1  }
0xb7: {  	[sflag:s29] =	ssyncadd.s32 $0xFFFFFFFF  }
0xb8: {  	_ =	strace $0x90000048  }
0xb9: {  	_ =	sfence  }
0xba: {  	s30 =	sld [smem:$0x0];
	_ =	sdelay $0x2  }
0xbb: {  	s31 =	sshll.u32 s1, $0xD;
	s1 =	sshrl.u32 s1, $0x2  }
0xbc: {  	s3 =	sand.u32 $0x4000, s31;
	s1 =	sadd.s32 s1, s30  }
0xbd: {  	s0 =	sor.u32 s3, s0;
	s1 =	sshll.u32 s1, $0x11  }
0xbe: {  	s0 =	sor.u32 s1, s0  }
0xbf: {  	s0 =	sadd.s32 $0x8F2B, s0  }
0xc0: {  	[sflag:s0] =	ssyncadd.remote.s32 $0x1  }
0xc1: {  	_ =	sfence.sel $0xFFFF  }
0xc2: {  	[dreg:$0x0] =	wrdreg $0xFFFFFFFF;
	(pc) =	sbr.abs _section_cstart, $3  }
0xc3: {  	[dreg:$0x1] =	wrdreg $0xFFFFFFFF  }
0xc4: {  	_ =	task.clear_ibuf [dreg:s9], $0x2FFFF;
	_ =	strace $0x9FFFFFFF  }
0xc5: {  	(tm) =	ssettm $0x7FFFFFFF  }
tec
execute0_lowered:
.L_overlay_start_1:
0x0: {  	(tag) =	ssettag $0x1  }
0x1: {  	s1 =	rddreg [dreg:$0x0]  }
0x2: {  	s2 =	rddreg [dreg:$0x1]  }
0x3: {  	s4 =	rddreg [dreg:$0x2]  }
0x4: {  	s0 =	rddreg [dreg:$0x3];
	s6 =	srdreg.scid  }
0x5: {  	s5 =	simm.s32 $0x0;
	s3 =	stileid.u32;
	s10 =	simm.s32 $0x4000  }
0x6: {  	s11 =	simm.s32 $0x1;
	s12 =	simm.s32 $0x80;
	s6 =	sand.u32 $0x1, s6  }
0x7: {  	s13 =	simm.s32 $0x1C700;
	s8 =	sshll.u32 s3, $0x1;
	s7 =	ssub.s32 $0x2, s6  }
0x8: {  	[smem:$0x7FF] =	sst s5;
	s6 =	sor.u32 s6, s8;
	s9 =	sshrl.u32 s7, $0x1  }
0x9: {  	_ =	strace $0x80000047;
	s6 =	smul.u32 $0x1A, s6;
	s31 =	ssub.s32 s7, s9  }
0xa: {  	s7 =	sadd.s32 $0x2000, s4;
	s9 =	simm.s32 $0x400;
	s8 =	smax.u32 s31, $0x1  }
.LBB2_1:
0xb: {  	s15 =	simm.s32 $0xFFFFFFFF;
	s14 =	simm.s32 $0x0  }
.LBB2_2:
0xc: {  	s17 =	sadd.s32 s6, s14  }
0xd: {  	s16 =	smov.u32 s15;
	s15 =	sshrl.u32 s17, $0x5  }
0xe: {  	p0 =	seq.s32 s15, s16  }
0xf: {  	s16 =	sshll.u32 @!p0 s17, $0x6  }
0x10: {  	s28 =	sshrl.u32 s17, $0x3;
	s18 =	sshll.u32 @!p0 s15, $0x4;
	s16 =	sand.u32 @!p0 $0xFFFC000, s16  }
0x11: {  	s19 =	simm.s32 @!p0 $0x400;
	s18 =	sand.u32 @!p0 $0x70, s18;
	s16 =	sadd.s32 @!p0 s1, s16  }
0x12: {  	s20 =	simm.s32 @!p0 $0x0;
	s16 =	sadd.s32 @!p0 s18, s16;
	s18 =	simm.s32 @!p0 $0x80  }
0x13: {  	[tilespmem:s20], [sflag:$0x1] =	stream.strided.gather @!p0 [hbm4b:s16+s18], $0x4000, s19, s18, $0x38;
	[tilespmem:$0x1E700] =	vst v63  }
0x14: {  	s29 =	smul.u32 $0x30E000, s15;
	s16 =	sand.u32 $0x3, s28  }
0x15: {  	s30 =	smul.u32 $0xC3800, s16  }
0x16: {  	s17 =	sshll.u32 s17, $0x7  }
0x17: {  	s17 =	sand.u32 $0x380, s17;
	s20 =	simm.s32 @!p0 $0x1;
	s18 =	sadd.s32 s29, s30  }
0x18: {  	_ =	swait.ge @!p0 [sflag:s20], $0x4000;
	s18 =	sor.u32 s17, s18  }
0x19: {  	[sflag:s20] =	ssyncset.done @!p0 $0x0;
	s18 =	sshrl.u32 s18, $0x3  }
0x1a: {  	s31 =	simm.s32 $0x80;
	[sflag:s20] =	ssyncadd.s32 @!p0 $0xFFFFC000;
	s18 =	sadd.s32 s2, s18  }
0x1b: {  	[tilespmem:s10], [sflag:$0x1] =	stream.strided.gather [hbm4b:s18+s31], $0x18700, s9, s31, $0x38;
	[tilespmem:$0x1E700] =	vst v63  }
0x1c: {  	_ =	swait.ge [sflag:s11], $0x18700  }
0x1d: {  	[sflag:s11] =	ssyncset.done $0x0  }
0x1e: {  	[sflag:s11] =	ssyncadd.s32 $0xFFFE7900  }
0x1f: {  	v0 =	vld [tilespmem:s31+$0x70]  }
0x20: {  	v1 =	vld [tilespmem:s31+$0xFFFFFF90]  }
0x21: {  	v2 =	vld [tilespmem:s31+$0xFFFFFFA0]  }
0x22: {  	v3 =	vld [tilespmem:s31+$0xFFFFFFB0]  }
0x23: {  	v4 =	vld [tilespmem:s31+$0xFFFFFFC0]  }
0x24: {  	v5 =	vld [tilespmem:s31+$0xFFFFFFD0]  }
0x25: {  	v6 =	vld [tilespmem:s31+$0xFFFFFFE0]  }
0x26: {  	v7 =	vld [tilespmem:s31+$0xFFFFFFF0]  }
0x27: {  	v8 =	vld [tilespmem:s31+$0x0]  }
0x28: {  	v9 =	vld [tilespmem:s31+$0x10]  }
0x29: {  	v10 =	vld [tilespmem:s31+$0x20]  }
0x2a: {  	v11 =	vld [tilespmem:s31+$0x30]  }
0x2b: {  	v12 =	vld [tilespmem:s31+$0x40]  }
0x2c: {  	v13 =	vld [tilespmem:s31+$0x50]  }
0x2d: {  	v14 =	vld [tilespmem:s31+$0x60]  }
0x2e: {  	v15 =	vld [tilespmem:s31+$0xFFFFFF80]  }
0x2f: {  	v0 =	vld.idx.msk [tilespmem:v0+s10+$0x0], $0xffff  }
0x30: {  	v1 =	vld.idx.msk [tilespmem:v1+s10+$0x0], $0xffff  }
0x31: {  	v2 =	vld.idx.msk [tilespmem:v2+s10+$0x0], $0xffff  }
0x32: {  	v3 =	vld.idx.msk [tilespmem:v3+s10+$0x0], $0xffff  }
0x33: {  	v4 =	vld.idx.msk [tilespmem:v4+s10+$0x0], $0xffff  }
0x34: {  	s18 =	simm.s32 $0x1C780;
	v5 =	vld.idx.msk [tilespmem:v5+s10+$0x0], $0xffff  }
0x35: {  	[tilespmem:s18+$0x70] =	vst v0;
	v0 =	vld.idx.msk [tilespmem:v6+s10+$0x0], $0xffff  }
0x36: {  	[tilespmem:s18+$0xFFFFFF90] =	vst v1;
	v1 =	vld.idx.msk [tilespmem:v7+s10+$0x0], $0xffff  }
0x37: {  	v6 =	vld.idx.msk [tilespmem:v15+s10+$0x0], $0xffff;
	[tilespmem:s18+$0xFFFFFFA0] =	vst v2  }
0x38: {  	[tilespmem:s18+$0xFFFFFFB0] =	vst v3;
	v7 =	vld.idx.msk [tilespmem:v8+s10+$0x0], $0xffff  }
0x39: {  	[tilespmem:s18+$0xFFFFFFC0] =	vst v4;
	v3 =	vld.idx.msk [tilespmem:v9+s10+$0x0], $0xffff  }
0x3a: {  	[tilespmem:s18+$0xFFFFFFD0] =	vst v5;
	v4 =	vld.idx.msk [tilespmem:v10+s10+$0x0], $0xffff  }
0x3b: {  	v2 =	vld.idx.msk [tilespmem:v13+s10+$0x0], $0xffff;
	[tilespmem:s18+$0xFFFFFFE0] =	vst v0  }
0x3c: {  	v0 =	vld.idx.msk [tilespmem:v11+s10+$0x0], $0xffff;
	[tilespmem:s18+$0xFFFFFFF0] =	vst v1  }
0x3d: {  	v1 =	vld.idx.msk [tilespmem:v12+s10+$0x0], $0xffff;
	[tilespmem:s18+$0xFFFFFF80] =	vst v6  }
0x3e: {  	s19 =	simm.s32 $0x0;
	s20 =	simm.s32 $0x180;
	v5 =	vld.idx.msk [tilespmem:v14+s10+$0x0], $0xffff;
	[tilespmem:s18+$0x0] =	vst v7  }
.LBB2_3:
0x3f: {  	v6 =	vld [tilespmem:s20+$0x70];
	s19 =	sadd.s32 $0x10, s19;
	[tilespmem:s18+$0x10] =	vst v3  }
0x40: {  	v3 =	vld [tilespmem:s20+$0xFFFFFF90];
	p0 =	slt.u32 s19, $0x1F0;
	[tilespmem:s18+$0x20] =	vst v4  }
0x41: {  	v4 =	vld [tilespmem:s20+$0xFFFFFFA0];
	[tilespmem:s18+$0x30] =	vst v0  }
0x42: {  	v0 =	vld [tilespmem:s20+$0xFFFFFFB0];
	[tilespmem:s18+$0x40] =	vst v1  }
0x43: {  	v1 =	vld [tilespmem:s20+$0xFFFFFFC0];
	[tilespmem:s18+$0x50] =	vst v2  }
0x44: {  	v2 =	vld [tilespmem:s20+$0xFFFFFFD0];
	[tilespmem:s18+$0x60] =	vst v5  }
0x45: {  	v5 =	vld [tilespmem:s20+$0xFFFFFFE0]  }
0x46: {  	v7 =	vld [tilespmem:s20+$0xFFFFFFF0]  }
0x47: {  	v6 =	vld.idx.msk [tilespmem:v6+s10+$0x0], $0xffff  }
0x48: {  	v8 =	vld [tilespmem:s20+$0x0]  }
0x49: {  	v9 =	vld [tilespmem:s20+$0x10]  }
0x4a: {  	v10 =	vld [tilespmem:s20+$0x20]  }
0x4b: {  	v11 =	vld [tilespmem:s20+$0x30]  }
0x4c: {  	s18 =	sadd.s32 $0x100, s18;
	v12 =	vld [tilespmem:s20+$0x40]  }
0x4d: {  	v13 =	vld [tilespmem:s20+$0x50];
	[tilespmem:s18+$0x70] =	vst v6  }
0x4e: {  	v6 =	vld [tilespmem:s20+$0x60]  }
0x4f: {  	v14 =	vld [tilespmem:s20+$0xFFFFFF80]  }
0x50: {  	v3 =	vld.idx.msk [tilespmem:v3+s10+$0x0], $0xffff  }
0x51: {  	v4 =	vld.idx.msk [tilespmem:v4+s10+$0x0], $0xffff  }
0x52: {  	v0 =	vld.idx.msk [tilespmem:v0+s10+$0x0], $0xffff  }
0x53: {  	v1 =	vld.idx.msk [tilespmem:v1+s10+$0x0], $0xffff  }
0x54: {  	v2 =	vld.idx.msk [tilespmem:v2+s10+$0x0], $0xffff  }
0x55: {  	v5 =	vld.idx.msk [tilespmem:v5+s10+$0x0], $0xffff  }
0x56: {  	[tilespmem:s18+$0xFFFFFF90] =	vst v3;
	v7 =	vld.idx.msk [tilespmem:v7+s10+$0x0], $0xffff  }
0x57: {  	v14 =	vld.idx.msk [tilespmem:v14+s10+$0x0], $0xffff;
	[tilespmem:s18+$0xFFFFFFA0] =	vst v4  }
0x58: {  	[tilespmem:s18+$0xFFFFFFB0] =	vst v0;
	v8 =	vld.idx.msk [tilespmem:v8+s10+$0x0], $0xffff  }
0x59: {  	[tilespmem:s18+$0xFFFFFFC0] =	vst v1;
	v3 =	vld.idx.msk [tilespmem:v9+s10+$0x0], $0xffff  }
.Ltmp0:
0x5a: {  	[tilespmem:s18+$0xFFFFFFD0] =	vst v2;
	v4 =	vld.idx.msk [tilespmem:v10+s10+$0x0], $0xffff;
	(pc) =	sbr.rel @p0 .LBB2_3-.Ltmp0, $4  }
0x5b: {  	[tilespmem:s18+$0xFFFFFFE0] =	vst v5;
	v0 =	vld.idx.msk [tilespmem:v11+s10+$0x0], $0xffff  }
0x5c: {  	[tilespmem:s18+$0xFFFFFFF0] =	vst v7;
	v1 =	vld.idx.msk [tilespmem:v12+s10+$0x0], $0xffff  }
0x5d: {  	[tilespmem:s18+$0xFFFFFF80] =	vst v14;
	v2 =	vld.idx.msk [tilespmem:v13+s10+$0x0], $0xffff  }
0x5e: {  	s20 =	sadd.s32 $0x100, s20;
	[tilespmem:s18+$0x0] =	vst v8;
	v5 =	vld.idx.msk [tilespmem:v6+s10+$0x0], $0xffff  }
0x5f: {  	[tilespmem:s18+$0x10] =	vst v3  }
0x60: {  	[tilespmem:s18+$0x20] =	vst v4;
	s19 =	sshll.u32 s15, $0x13;
	s16 =	sshll.u32 s16, $0x11  }
0x61: {  	[tilespmem:s18+$0x30] =	vst v0;
	s16 =	sor.u32 s19, s16  }
0x62: {  	[tilespmem:s18+$0x40] =	vst v1;
	s16 =	sor.u32 s17, s16  }
0x63: {  	[tilespmem:s18+$0x50] =	vst v2;
	s16 =	sshrl.u32 s16, $0x3  }
0x64: {  	[tilespmem:s18+$0x60] =	vst v5;
	s30 =	sadd.s32 s4, s16  }
0x65: {  	[hbm4b:s30+s12] =	stream.strided.scatter [tilespmem:s13], [sflag:$0x1], $0x2000, s9, s12, $0x38;
	[tilespmem:$0x1E700] =	vst v63  }
0x66: {  	_ =	swait.ge [sflag:s11], $0x2000  }
0x67: {  	[sflag:s11] =	ssyncset.done $0x0  }
0x68: {  	s31 =	simm.s32 $0x20F0;
	[sflag:s11] =	ssyncadd.s32 $0xFFFFE000  }
0x69: {  	v0 =	vld [tilespmem:s31+$0x0]  }
0x6a: {  	v1 =	vld [tilespmem:s31+$0xFFFFFF20]  }
0x6b: {  	v2 =	vld [tilespmem:s31+$0xFFFFFF30]  }
0x6c: {  	v3 =	vld [tilespmem:s31+$0xFFFFFF40]  }
0x6d: {  	v4 =	vld [tilespmem:s31+$0xFFFFFF50]  }
0x6e: {  	v5 =	vld [tilespmem:s31+$0xFFFFFF60]  }
0x6f: {  	v6 =	vld [tilespmem:s31+$0xFFFFFF70]  }
0x70: {  	v7 =	vld [tilespmem:s31+$0xFFFFFF80]  }
0x71: {  	v8 =	vld [tilespmem:s31+$0xFFFFFF90]  }
0x72: {  	v9 =	vld [tilespmem:s31+$0xFFFFFFA0]  }
0x73: {  	v10 =	vld [tilespmem:s31+$0xFFFFFFB0]  }
0x74: {  	v11 =	vld [tilespmem:s31+$0xFFFFFFC0]  }
0x75: {  	v12 =	vld [tilespmem:s31+$0xFFFFFFD0]  }
0x76: {  	v13 =	vld [tilespmem:s31+$0xFFFFFFE0]  }
0x77: {  	v14 =	vld [tilespmem:s31+$0xFFFFFFF0]  }
0x78: {  	v15 =	vld [tilespmem:s31+$0xFFFFFF10]  }
0x79: {  	v0 =	vld.idx.msk [tilespmem:v0+s10+$0x0], $0xffff  }
0x7a: {  	v1 =	vld.idx.msk [tilespmem:v1+s10+$0x0], $0xffff  }
0x7b: {  	v2 =	vld.idx.msk [tilespmem:v2+s10+$0x0], $0xffff  }
0x7c: {  	v3 =	vld.idx.msk [tilespmem:v3+s10+$0x0], $0xffff  }
0x7d: {  	v4 =	vld.idx.msk [tilespmem:v4+s10+$0x0], $0xffff  }
0x7e: {  	s17 =	simm.s32 $0x1C780;
	v5 =	vld.idx.msk [tilespmem:v5+s10+$0x0], $0xffff  }
0x7f: {  	v6 =	vld.idx.msk [tilespmem:v6+s10+$0x0], $0xffff;
	[tilespmem:s17+$0x70] =	vst v0  }
0x80: {  	v7 =	vld.idx.msk [tilespmem:v7+s10+$0x0], $0xffff;
	[tilespmem:s17+$0xFFFFFF90] =	vst v1  }
0x81: {  	v15 =	vld.idx.msk [tilespmem:v15+s10+$0x0], $0xffff;
	[tilespmem:s17+$0xFFFFFFA0] =	vst v2  }
0x82: {  	v8 =	vld.idx.msk [tilespmem:v8+s10+$0x0], $0xffff;
	[tilespmem:s17+$0xFFFFFFB0] =	vst v3  }
0x83: {  	[tilespmem:s17+$0xFFFFFFC0] =	vst v4;
	v0 =	vld.idx.msk [tilespmem:v9+s10+$0x0], $0xffff  }
0x84: {  	[tilespmem:s17+$0xFFFFFFD0] =	vst v5;
	v1 =	vld.idx.msk [tilespmem:v10+s10+$0x0], $0xffff  }
0x85: {  	[tilespmem:s17+$0xFFFFFFE0] =	vst v6;
	v2 =	vld.idx.msk [tilespmem:v11+s10+$0x0], $0xffff  }
0x86: {  	[tilespmem:s17+$0xFFFFFFF0] =	vst v7;
	v3 =	vld.idx.msk [tilespmem:v12+s10+$0x0], $0xffff  }
0x87: {  	[tilespmem:s17+$0xFFFFFF80] =	vst v15;
	v4 =	vld.idx.msk [tilespmem:v13+s10+$0x0], $0xffff  }
0x88: {  	s19 =	simm.s32 $0x21F0;
	s18 =	simm.s32 $0x0;
	[tilespmem:s17+$0x0] =	vst v8;
	v5 =	vld.idx.msk [tilespmem:v14+s10+$0x0], $0xffff  }
.LBB2_5:
0x89: {  	v6 =	vld [tilespmem:s19+$0x0];
	s18 =	sadd.s32 $0x10, s18;
	[tilespmem:s17+$0x10] =	vst v0  }
0x8a: {  	v0 =	vld [tilespmem:s19+$0xFFFFFF20];
	p0 =	slt.u32 s18, $0x1F0;
	[tilespmem:s17+$0x20] =	vst v1  }
0x8b: {  	v1 =	vld [tilespmem:s19+$0xFFFFFF30];
	[tilespmem:s17+$0x30] =	vst v2  }
0x8c: {  	v2 =	vld [tilespmem:s19+$0xFFFFFF40];
	[tilespmem:s17+$0x40] =	vst v3  }
0x8d: {  	v3 =	vld [tilespmem:s19+$0xFFFFFF50];
	[tilespmem:s17+$0x50] =	vst v4  }
0x8e: {  	v4 =	vld [tilespmem:s19+$0xFFFFFF60];
	[tilespmem:s17+$0x60] =	vst v5  }
0x8f: {  	v5 =	vld [tilespmem:s19+$0xFFFFFF70]  }
0x90: {  	v7 =	vld [tilespmem:s19+$0xFFFFFF80]  }
0x91: {  	v6 =	vld.idx.msk [tilespmem:v6+s10+$0x0], $0xffff  }
0x92: {  	v8 =	vld [tilespmem:s19+$0xFFFFFF90]  }
0x93: {  	v9 =	vld [tilespmem:s19+$0xFFFFFFA0]  }
0x94: {  	v10 =	vld [tilespmem:s19+$0xFFFFFFB0]  }
0x95: {  	v11 =	vld [tilespmem:s19+$0xFFFFFFC0]  }
0x96: {  	s17 =	sadd.s32 $0x100, s17;
	v12 =	vld [tilespmem:s19+$0xFFFFFFD0]  }
0x97: {  	v13 =	vld [tilespmem:s19+$0xFFFFFFE0];
	[tilespmem:s17+$0x70] =	vst v6  }
0x98: {  	v6 =	vld [tilespmem:s19+$0xFFFFFFF0]  }
0x99: {  	v14 =	vld [tilespmem:s19+$0xFFFFFF10]  }
0x9a: {  	v0 =	vld.idx.msk [tilespmem:v0+s10+$0x0], $0xffff  }
0x9b: {  	v1 =	vld.idx.msk [tilespmem:v1+s10+$0x0], $0xffff  }
0x9c: {  	v2 =	vld.idx.msk [tilespmem:v2+s10+$0x0], $0xffff  }
0x9d: {  	v3 =	vld.idx.msk [tilespmem:v3+s10+$0x0], $0xffff  }
0x9e: {  	v4 =	vld.idx.msk [tilespmem:v4+s10+$0x0], $0xffff  }
0x9f: {  	v5 =	vld.idx.msk [tilespmem:v5+s10+$0x0], $0xffff  }
0xa0: {  	[tilespmem:s17+$0xFFFFFF90] =	vst v0;
	v7 =	vld.idx.msk [tilespmem:v7+s10+$0x0], $0xffff  }
0xa1: {  	v14 =	vld.idx.msk [tilespmem:v14+s10+$0x0], $0xffff;
	[tilespmem:s17+$0xFFFFFFA0] =	vst v1  }
0xa2: {  	[tilespmem:s17+$0xFFFFFFB0] =	vst v2;
	v8 =	vld.idx.msk [tilespmem:v8+s10+$0x0], $0xffff  }
0xa3: {  	[tilespmem:s17+$0xFFFFFFC0] =	vst v3;
	v0 =	vld.idx.msk [tilespmem:v9+s10+$0x0], $0xffff  }
.Ltmp1:
0xa4: {  	[tilespmem:s17+$0xFFFFFFD0] =	vst v4;
	v1 =	vld.idx.msk [tilespmem:v10+s10+$0x0], $0xffff;
	(pc) =	sbr.rel @p0 .LBB2_5-.Ltmp1, $4  }
0xa5: {  	[tilespmem:s17+$0xFFFFFFE0] =	vst v5;
	v2 =	vld.idx.msk [tilespmem:v11+s10+$0x0], $0xffff  }
0xa6: {  	[tilespmem:s17+$0xFFFFFFF0] =	vst v7;
	v3 =	vld.idx.msk [tilespmem:v12+s10+$0x0], $0xffff  }
0xa7: {  	[tilespmem:s17+$0xFFFFFF80] =	vst v14;
	v4 =	vld.idx.msk [tilespmem:v13+s10+$0x0], $0xffff  }
0xa8: {  	s19 =	sadd.s32 $0x100, s19;
	[tilespmem:s17+$0x0] =	vst v8;
	v5 =	vld.idx.msk [tilespmem:v6+s10+$0x0], $0xffff  }
0xa9: {  	[tilespmem:s17+$0x10] =	vst v0  }
0xaa: {  	[tilespmem:s17+$0x20] =	vst v1  }
0xab: {  	[tilespmem:s17+$0x30] =	vst v2  }
0xac: {  	s14 =	sadd.s32 $0x1, s14;
	[tilespmem:s17+$0x40] =	vst v3  }
0xad: {  	p0 =	sne.s32 s14, $0x1A;
	[tilespmem:s17+$0x50] =	vst v4  }
.Ltmp2:
0xae: {  	s16 =	sadd.s32 s16, s7;
	[tilespmem:s17+$0x60] =	vst v5;
	(pc) =	sbr.rel @p0 .LBB2_2-.Ltmp2, $4  }
0xaf: {  	[hbm4b:s16+s12] =	stream.strided.scatter [tilespmem:s13], [sflag:$0x1], $0x2000, s9, s12, $0x38;
	[tilespmem:$0x1E700] =	vst v63  }
0xb0: {  	_ =	swait.ge [sflag:s11], $0x2000  }
0xb1: {  	[sflag:s11] =	ssyncset.done $0x0  }
0xb2: {  	[sflag:s11] =	ssyncadd.s32 $0xFFFFE000  }
0xb3: {  	s5 =	sadd.s32 $0x1, s5  }
0xb4: {  	p0 =	sne.s32 s5, s8  }
.Ltmp3:
0xb5: {  	_ = 	snop;
	(pc) =	sbr.rel @p0 .LBB2_1-.Ltmp3, $1  }
0xb6: {  	_ =	sdelay $0x3  }
0xb7: {  	_ =	sfence.sel $0x180000  }
0xb8: {  	[bflag:$0x0] =	sbarrier.arrive $0xFFFF  }
0xb9: {  	p0 =	sne.s32 s3, $0x0;
	_ =	strace $0x90000047  }
0xba: {  	s0 =	sadd.s32 @!p0 $0x100000, s0;
	[bflag:$0x2] =	sbarrier.arrive $0xFFFF  }
0xbb: {  	[sflag:s0] =	ssyncadd.tile.s32 @!p0 $0x1;
	_ =	shalt  }
.Lfunc_end2:
_tile_overlayer_lowered:
.L_overlay_start_2:
0xbc: {  	(tag) =	ssettag $0x2  }
0xbd: {  	s0 =	rddreg [dreg:$0x0];
	s2 =	stileid.u32  }
0xbe: {  	s1 =	rddreg [dreg:$0x1];
	p0 =	sne.s32 s2, $0x0  }
0xbf: {  	s3 =	rddreg [dreg:$0x2];
	[bflag:$0x3] =	sbarrier.arrive $0xFFFF;
	s2 =	simm.s32 @!p0 $0x1C01  }
0xc0: {  	[timem:s3], [sflag:s2] =	dma.local @!p0 [hbm:s0], s1  }
0xc1: {  	s0 =	simm.s32 @!p0 $0x1  }
0xc2: {  	_ =	swait.ge @!p0 [sflag:s0], s1  }
0xc3: {  	s1 =	ssub.s32 @!p0 $0x0, s1;
	[sflag:s0] =	ssyncset.done @!p0 $0x0  }
0xc4: {  	[sflag:s0] =	ssyncadd.s32 @!p0 s1  }
0xc5: {  	[bflag:$0x3] =	sbarrier.arrive $0xFFFF  }
0xc6: {  	_ =	shalt  }

</sc_bundles>
